<compile_context>
chip_gen: v7x
topology: tpu7x:2x2x1
jax: 0.10.2.dev20260603
libtpu: 0.0.44.dev20260713+nightly
codegen_flags: <defaults>
</compile_context>

<pallas_src>
import functools

import jax
import jax.numpy as jnp
from jax import lax
from jax.experimental import pallas as pl
from jax.experimental.pallas import tpu as pltpu
from jax.experimental.pallas import tpu_sc as plsc

_B = 128
_L = 16
_NW = 16
_ROWS = _B // _NW

_mesh = plsc.VectorSubcoreMesh(
    core_axis_name="c", subcore_axis_name="s", num_cores=1)


@functools.partial(
    pl.kernel,
    mesh=_mesh,
    out_type=jax.ShapeDtypeStruct((_B * _L,), jnp.int32),
    scratch_types=[
        pltpu.VMEM((_ROWS * _L,), jnp.int32),
        pltpu.VMEM((_L,), jnp.int32),
        pltpu.VMEM((_L,), jnp.int32),
        pltpu.SemaphoreType.DMA,
    ],
)
def _masked_copy_sc(tok_hbm, cnt_hbm, out_hbm, tok_v, row0_v, cnt_v, sem):
    wid = lax.axis_index("s")
    base = wid * (_ROWS * _L)

    c1 = pltpu.async_copy(tok_hbm.at[pl.ds(base, _ROWS * _L)], tok_v, sem)
    c2 = pltpu.async_copy(tok_hbm.at[pl.ds(0, _L)], row0_v, sem)
    c3 = pltpu.async_copy(cnt_hbm.at[pl.ds(wid * _ROWS, _ROWS)],
                          cnt_v.at[pl.ds(0, _ROWS)], sem)
    c1.wait()
    c2.wait()
    c3.wait()

    pos = lax.iota(jnp.int32, _L)
    zero = jnp.zeros((_L,), jnp.int32)

    row0 = row0_v[...]
    non_pad = jnp.full((_L,), row0[0], jnp.int32)

    cnts = cnt_v[...]
    for r in range(_ROWS):
        cnt = jnp.full((_L,), cnts[r], jnp.int32)
        row = tok_v[pl.ds(r * _L, _L)]
        fixed = jnp.where(row == 0, non_pad, row)
        tok_v[pl.ds(r * _L, _L)] = jnp.where(pos < cnt, fixed, zero)

    pltpu.sync_copy(tok_v, out_hbm.at[pl.ds(base, _ROWS * _L)])


def kernel(output_tokens, output_counts):
    flat = output_tokens.reshape(_B * _L)
    result = _masked_copy_sc(flat, output_counts)
    return (result.reshape(_B, _L), output_counts)

# --- scband reference (transcript-rebuilt; emitter-appended) ---
"""Pipeline reference for scband-fused-speculative-base-73564199846327 (READ-ONLY COPY).

The authoritative reference and input builder live on the scoring server;
editing this copy changes nothing except your own understanding.
"""

import jax, jax.numpy as jnp
import numpy as np

PAD_TOKEN_ID = 0


def setup_inputs(seed: int = 0) -> dict:
    key = jax.random.key(seed)
    k1, k2 = jax.random.split(key)
    output_tokens = jax.random.randint(k1, (128, 16), 0, 32000, dtype=jnp.int32)
    output_counts = jax.random.randint(k2, (128,), 0, 16, dtype=jnp.int32)
    return {"output_tokens": output_tokens, "output_counts": output_counts}


def reference(output_tokens, output_counts):
    # sampler is None -> skip sampler branch
    non_pad_value = output_tokens[0, 0]
    # replace any pad tokens with the non-pad value (in-place masked write in torch)
    toks = jnp.where(output_tokens == PAD_TOKEN_ID, non_pad_value, output_tokens)
    # result_tokens starts as full pad; first output_counts[i] entries of row i copied over
    L = output_tokens.shape[1]
    pos = jnp.arange(L, dtype=output_counts.dtype)[None, :]
    keep_mask = pos < output_counts[:, None]
    result_tokens = jnp.where(keep_mask, toks, jnp.asarray(PAD_TOKEN_ID, dtype=toks.dtype))
    return (result_tokens, output_counts)

if __name__ == "__main__":
    import jax
    _d = setup_inputs()
    print(jax.jit(kernel)(*tuple(_d.values())))

</pallas_src>

<mosaic_0001>
#map = affine_map<(d0, d1) -> (0)>
module attributes {stable_mosaic.version = 14 : i64} {
  func.func @_masked_copy_sc(%arg0: i32, %arg1: i32, %arg2: memref<2048xi32, #tpu.memory_space<hbm>>, %arg3: memref<128xi32, #tpu.memory_space<hbm>>, %arg4: memref<2048xi32, #tpu.memory_space<hbm>>, %arg5: memref<128xi32, #tpu.memory_space<vmem>>, %arg6: memref<16xi32, #tpu.memory_space<vmem>>, %arg7: memref<16xi32, #tpu.memory_space<vmem>>, %arg8: memref<!tpu.dma_semaphore, #tpu.memory_space<semaphore_mem>>) attributes {dimension_semantics = [#tpu.dimension_semantics<core_parallel>, #tpu.dimension_semantics<subcore_parallel>], iteration_bounds = array<i64: 1, 16>, scalar_prefetch = 0 : i64, scratch_operands = 4 : i64, tpu.core_type = #tpu.core_type<sc_vector_subcore>, window_params = [{transform_indices = #map}, {transform_indices = #map}, {transform_indices = #map}]} {
    %mul3A = arith.constant 128 : i32
    %mul3A_0 = arith.muli %arg1, %mul3A : i32
    %dma_start3A = tpu.memref_slice %arg2[%mul3A_0] : memref<2048xi32, #tpu.memory_space<hbm>> -> memref<128xi32, #tpu.memory_space<hbm>>
    %dma_start3A_1 = tpu.memref_slice %arg2[%mul3A_0] : memref<2048xi32, #tpu.memory_space<hbm>> -> memref<128xi32, #tpu.memory_space<hbm>>
    tpu.enqueue_dma source(%dma_start3A_1 : memref<128xi32, #tpu.memory_space<hbm>>) target(%arg5 : memref<128xi32, #tpu.memory_space<vmem>>) target_semaphore(%arg8 : memref<!tpu.dma_semaphore, #tpu.memory_space<semaphore_mem>>)
    %dma_start3A_2 = arith.constant 0 : i32
    %dma_start3A_3 = tpu.memref_slice %arg2[%dma_start3A_2] : memref<2048xi32, #tpu.memory_space<hbm>> -> memref<16xi32, #tpu.memory_space<hbm>>
    %dma_start3A_4 = arith.constant 0 : i32
    %dma_start3A_5 = tpu.memref_slice %arg2[%dma_start3A_4] : memref<2048xi32, #tpu.memory_space<hbm>> -> memref<16xi32, #tpu.memory_space<hbm>>
    tpu.enqueue_dma source(%dma_start3A_5 : memref<16xi32, #tpu.memory_space<hbm>>) target(%arg6 : memref<16xi32, #tpu.memory_space<vmem>>) target_semaphore(%arg8 : memref<!tpu.dma_semaphore, #tpu.memory_space<semaphore_mem>>)
    %mul3A_6 = arith.constant 8 : i32
    %mul3A_7 = arith.muli %arg1, %mul3A_6 : i32
    %dma_start3A_8 = arith.constant 0 : i32
    %dma_start3A_9 = tpu.memref_slice %arg7[%dma_start3A_8] : memref<16xi32, #tpu.memory_space<vmem>> -> memref<8xi32, #tpu.memory_space<vmem>>
    %dma_start3A_10 = tpu.memref_slice %arg3[%mul3A_7] : memref<128xi32, #tpu.memory_space<hbm>> -> memref<8xi32, #tpu.memory_space<hbm>>
    %dma_start3A_11 = arith.constant 0 : i32
    %dma_start3A_12 = tpu.memref_slice %arg7[%dma_start3A_11] : memref<16xi32, #tpu.memory_space<vmem>> -> memref<8xi32, #tpu.memory_space<vmem>>
    %dma_start3A_13 = tpu.memref_slice %arg3[%mul3A_7] : memref<128xi32, #tpu.memory_space<hbm>> -> memref<8xi32, #tpu.memory_space<hbm>>
    tpu.enqueue_dma source(%dma_start3A_13 : memref<8xi32, #tpu.memory_space<hbm>>) target(%dma_start3A_12 : memref<8xi32, #tpu.memory_space<vmem>>) target_semaphore(%arg8 : memref<!tpu.dma_semaphore, #tpu.memory_space<semaphore_mem>>)
    %dma_wait3A = tpu.memref_slice %arg2[%mul3A_0] : memref<2048xi32, #tpu.memory_space<hbm>> -> memref<128xi32, #tpu.memory_space<hbm>>
    %dma_wait3A_14 = tpu.memref_slice %arg2[%mul3A_0] : memref<2048xi32, #tpu.memory_space<hbm>> -> memref<128xi32, #tpu.memory_space<hbm>>
    tpu.wait_dma2 semaphore(%arg8 : memref<!tpu.dma_semaphore, #tpu.memory_space<semaphore_mem>>) src(%dma_wait3A_14 : memref<128xi32, #tpu.memory_space<hbm>>) dst(%arg5 : memref<128xi32, #tpu.memory_space<vmem>>)
    %dma_wait3A_15 = arith.constant 0 : i32
    %dma_wait3A_16 = tpu.memref_slice %arg2[%dma_wait3A_15] : memref<2048xi32, #tpu.memory_space<hbm>> -> memref<16xi32, #tpu.memory_space<hbm>>
    %dma_wait3A_17 = arith.constant 0 : i32
    %dma_wait3A_18 = tpu.memref_slice %arg2[%dma_wait3A_17] : memref<2048xi32, #tpu.memory_space<hbm>> -> memref<16xi32, #tpu.memory_space<hbm>>
    tpu.wait_dma2 semaphore(%arg8 : memref<!tpu.dma_semaphore, #tpu.memory_space<semaphore_mem>>) src(%dma_wait3A_18 : memref<16xi32, #tpu.memory_space<hbm>>) dst(%arg6 : memref<16xi32, #tpu.memory_space<vmem>>)
    %dma_wait3A_19 = arith.constant 0 : i32
    %dma_wait3A_20 = tpu.memref_slice %arg7[%dma_wait3A_19] : memref<16xi32, #tpu.memory_space<vmem>> -> memref<8xi32, #tpu.memory_space<vmem>>
    %dma_wait3A_21 = tpu.memref_slice %arg3[%mul3A_7] : memref<128xi32, #tpu.memory_space<hbm>> -> memref<8xi32, #tpu.memory_space<hbm>>
    %dma_wait3A_22 = arith.constant 0 : i32
    %dma_wait3A_23 = tpu.memref_slice %arg7[%dma_wait3A_22] : memref<16xi32, #tpu.memory_space<vmem>> -> memref<8xi32, #tpu.memory_space<vmem>>
    %dma_wait3A_24 = tpu.memref_slice %arg3[%mul3A_7] : memref<128xi32, #tpu.memory_space<hbm>> -> memref<8xi32, #tpu.memory_space<hbm>>
    tpu.wait_dma2 semaphore(%arg8 : memref<!tpu.dma_semaphore, #tpu.memory_space<semaphore_mem>>) src(%dma_wait3A_24 : memref<8xi32, #tpu.memory_space<hbm>>) dst(%dma_wait3A_23 : memref<8xi32, #tpu.memory_space<vmem>>)
    %iota3A = tpu.iota {dimensions = array<i32: 0>} : vector<16xi32>
    %broadcast_in_dim3A = arith.constant 0 : i32
    %broadcast_in_dim3A_25 = vector.broadcast %broadcast_in_dim3A : i32 to vector<16xi32>
    %get3A = arith.constant 0 : index
    %get3A_26 = tpu.vector_load %arg6[%get3A] {strides = array<i32>} : memref<16xi32, #tpu.memory_space<vmem>>, vector<16xi32>,
    %get3A_27 = vector.shape_cast %get3A_26 : vector<16xi32> to vector<16xi32>
    %slice3A = vector.extract_strided_slice %get3A_27 {offsets = [0], sizes = [1], strides = [1]} : vector<16xi32> to vector<1xi32>
    %squeeze3A = vector.extract %slice3A[0] : i32 from vector<1xi32>
    %broadcast_in_dim3A_28 = vector.broadcast %squeeze3A : i32 to vector<16xi32>
    %get3A_29 = arith.constant 0 : index
    %get3A_30 = tpu.vector_load %arg7[%get3A_29] {strides = array<i32>} : memref<16xi32, #tpu.memory_space<vmem>>, vector<16xi32>,
    %get3A_31 = vector.shape_cast %get3A_30 : vector<16xi32> to vector<16xi32>
    %slice3A_32 = vector.extract_strided_slice %get3A_31 {offsets = [0], sizes = [1], strides = [1]} : vector<16xi32> to vector<1xi32>
    %squeeze3A_33 = vector.extract %slice3A_32[0] : i32 from vector<1xi32>
    %broadcast_in_dim3A_34 = vector.broadcast %squeeze3A_33 : i32 to vector<16xi32>
    %get3A_35 = arith.constant 0 : index
    %get3A_36 = tpu.vector_load %arg5[%get3A_35] {strides = array<i32>} : memref<128xi32, #tpu.memory_space<vmem>>, vector<16xi32>,
    %get3A_37 = vector.shape_cast %get3A_36 : vector<16xi32> to vector<16xi32>
    %eq3A = arith.constant 0 : i32
    %eq3A_38 = vector.broadcast %eq3A : i32 to vector<16xi32>
    %eq3A_39 = arith.cmpi eq, %get3A_37, %eq3A_38 : vector<16xi32>
    %select_n3A = arith.select %eq3A_39, %broadcast_in_dim3A_28, %get3A_37 : vector<16xi1>, vector<16xi32>
    %lt3A = arith.cmpi slt, %iota3A, %broadcast_in_dim3A_34 : vector<16xi32>
    %select_n3A_40 = arith.select %lt3A, %select_n3A, %broadcast_in_dim3A_25 : vector<16xi1>, vector<16xi32>
    %swap3A = arith.constant 0 : index
    %swap3A_41 = tpu.vector_load %arg5[%swap3A] {strides = array<i32>} : memref<128xi32, #tpu.memory_space<vmem>>, vector<16xi32>,
    %swap3A_42 = vector.shape_cast %swap3A_41 : vector<16xi32> to vector<16xi32>
    %swap3A_43 = vector.shape_cast %select_n3A_40 : vector<16xi32> to vector<16xi32>
    tpu.vector_store %arg5[%swap3A], %swap3A_43 {strides = array<i32>} : memref<128xi32, #tpu.memory_space<vmem>>, vector<16xi32>,
    %slice3A_44 = vector.extract_strided_slice %get3A_31 {offsets = [1], sizes = [1], strides = [1]} : vector<16xi32> to vector<1xi32>
    %squeeze3A_45 = vector.extract %slice3A_44[0] : i32 from vector<1xi32>
    %broadcast_in_dim3A_46 = vector.broadcast %squeeze3A_45 : i32 to vector<16xi32>
    %get3A_47 = arith.constant 16 : index
    %get3A_48 = tpu.vector_load %arg5[%get3A_47] {strides = array<i32>} : memref<128xi32, #tpu.memory_space<vmem>>, vector<16xi32>,
    %get3A_49 = vector.shape_cast %get3A_48 : vector<16xi32> to vector<16xi32>
    %eq3A_50 = arith.constant 0 : i32
    %eq3A_51 = vector.broadcast %eq3A_50 : i32 to vector<16xi32>
    %eq3A_52 = arith.cmpi eq, %get3A_49, %eq3A_51 : vector<16xi32>
    %select_n3A_53 = arith.select %eq3A_52, %broadcast_in_dim3A_28, %get3A_49 : vector<16xi1>, vector<16xi32>
    %lt3A_54 = arith.cmpi slt, %iota3A, %broadcast_in_dim3A_46 : vector<16xi32>
    %select_n3A_55 = arith.select %lt3A_54, %select_n3A_53, %broadcast_in_dim3A_25 : vector<16xi1>, vector<16xi32>
    %swap3A_56 = arith.constant 16 : index
    %swap3A_57 = tpu.vector_load %arg5[%swap3A_56] {strides = array<i32>} : memref<128xi32, #tpu.memory_space<vmem>>, vector<16xi32>,
    %swap3A_58 = vector.shape_cast %swap3A_57 : vector<16xi32> to vector<16xi32>
    %swap3A_59 = vector.shape_cast %select_n3A_55 : vector<16xi32> to vector<16xi32>
    tpu.vector_store %arg5[%swap3A_56], %swap3A_59 {strides = array<i32>} : memref<128xi32, #tpu.memory_space<vmem>>, vector<16xi32>,
    %slice3A_60 = vector.extract_strided_slice %get3A_31 {offsets = [2], sizes = [1], strides = [1]} : vector<16xi32> to vector<1xi32>
    %squeeze3A_61 = vector.extract %slice3A_60[0] : i32 from vector<1xi32>
    %broadcast_in_dim3A_62 = vector.broadcast %squeeze3A_61 : i32 to vector<16xi32>
    %get3A_63 = arith.constant 32 : index
    %get3A_64 = tpu.vector_load %arg5[%get3A_63] {strides = array<i32>} : memref<128xi32, #tpu.memory_space<vmem>>, vector<16xi32>,
    %get3A_65 = vector.shape_cast %get3A_64 : vector<16xi32> to vector<16xi32>
    %eq3A_66 = arith.constant 0 : i32
    %eq3A_67 = vector.broadcast %eq3A_66 : i32 to vector<16xi32>
    %eq3A_68 = arith.cmpi eq, %get3A_65, %eq3A_67 : vector<16xi32>
    %select_n3A_69 = arith.select %eq3A_68, %broadcast_in_dim3A_28, %get3A_65 : vector<16xi1>, vector<16xi32>
    %lt3A_70 = arith.cmpi slt, %iota3A, %broadcast_in_dim3A_62 : vector<16xi32>
    %select_n3A_71 = arith.select %lt3A_70, %select_n3A_69, %broadcast_in_dim3A_25 : vector<16xi1>, vector<16xi32>
    %swap3A_72 = arith.constant 32 : index
    %swap3A_73 = tpu.vector_load %arg5[%swap3A_72] {strides = array<i32>} : memref<128xi32, #tpu.memory_space<vmem>>, vector<16xi32>,
    %swap3A_74 = vector.shape_cast %swap3A_73 : vector<16xi32> to vector<16xi32>
    %swap3A_75 = vector.shape_cast %select_n3A_71 : vector<16xi32> to vector<16xi32>
    tpu.vector_store %arg5[%swap3A_72], %swap3A_75 {strides = array<i32>} : memref<128xi32, #tpu.memory_space<vmem>>, vector<16xi32>,
    %slice3A_76 = vector.extract_strided_slice %get3A_31 {offsets = [3], sizes = [1], strides = [1]} : vector<16xi32> to vector<1xi32>
    %squeeze3A_77 = vector.extract %slice3A_76[0] : i32 from vector<1xi32>
    %broadcast_in_dim3A_78 = vector.broadcast %squeeze3A_77 : i32 to vector<16xi32>
    %get3A_79 = arith.constant 48 : index
    %get3A_80 = tpu.vector_load %arg5[%get3A_79] {strides = array<i32>} : memref<128xi32, #tpu.memory_space<vmem>>, vector<16xi32>,
    %get3A_81 = vector.shape_cast %get3A_80 : vector<16xi32> to vector<16xi32>
    %eq3A_82 = arith.constant 0 : i32
    %eq3A_83 = vector.broadcast %eq3A_82 : i32 to vector<16xi32>
    %eq3A_84 = arith.cmpi eq, %get3A_81, %eq3A_83 : vector<16xi32>
    %select_n3A_85 = arith.select %eq3A_84, %broadcast_in_dim3A_28, %get3A_81 : vector<16xi1>, vector<16xi32>
    %lt3A_86 = arith.cmpi slt, %iota3A, %broadcast_in_dim3A_78 : vector<16xi32>
    %select_n3A_87 = arith.select %lt3A_86, %select_n3A_85, %broadcast_in_dim3A_25 : vector<16xi1>, vector<16xi32>
    %swap3A_88 = arith.constant 48 : index
    %swap3A_89 = tpu.vector_load %arg5[%swap3A_88] {strides = array<i32>} : memref<128xi32, #tpu.memory_space<vmem>>, vector<16xi32>,
    %swap3A_90 = vector.shape_cast %swap3A_89 : vector<16xi32> to vector<16xi32>
    %swap3A_91 = vector.shape_cast %select_n3A_87 : vector<16xi32> to vector<16xi32>
    tpu.vector_store %arg5[%swap3A_88], %swap3A_91 {strides = array<i32>} : memref<128xi32, #tpu.memory_space<vmem>>, vector<16xi32>,
    %slice3A_92 = vector.extract_strided_slice %get3A_31 {offsets = [4], sizes = [1], strides = [1]} : vector<16xi32> to vector<1xi32>
    %squeeze3A_93 = vector.extract %slice3A_92[0] : i32 from vector<1xi32>
    %broadcast_in_dim3A_94 = vector.broadcast %squeeze3A_93 : i32 to vector<16xi32>
    %get3A_95 = arith.constant 64 : index
    %get3A_96 = tpu.vector_load %arg5[%get3A_95] {strides = array<i32>} : memref<128xi32, #tpu.memory_space<vmem>>, vector<16xi32>,
    %get3A_97 = vector.shape_cast %get3A_96 : vector<16xi32> to vector<16xi32>
    %eq3A_98 = arith.constant 0 : i32
    %eq3A_99 = vector.broadcast %eq3A_98 : i32 to vector<16xi32>
    %eq3A_100 = arith.cmpi eq, %get3A_97, %eq3A_99 : vector<16xi32>
    %select_n3A_101 = arith.select %eq3A_100, %broadcast_in_dim3A_28, %get3A_97 : vector<16xi1>, vector<16xi32>
    %lt3A_102 = arith.cmpi slt, %iota3A, %broadcast_in_dim3A_94 : vector<16xi32>
    %select_n3A_103 = arith.select %lt3A_102, %select_n3A_101, %broadcast_in_dim3A_25 : vector<16xi1>, vector<16xi32>
    %swap3A_104 = arith.constant 64 : index
    %swap3A_105 = tpu.vector_load %arg5[%swap3A_104] {strides = array<i32>} : memref<128xi32, #tpu.memory_space<vmem>>, vector<16xi32>,
    %swap3A_106 = vector.shape_cast %swap3A_105 : vector<16xi32> to vector<16xi32>
    %swap3A_107 = vector.shape_cast %select_n3A_103 : vector<16xi32> to vector<16xi32>
    tpu.vector_store %arg5[%swap3A_104], %swap3A_107 {strides = array<i32>} : memref<128xi32, #tpu.memory_space<vmem>>, vector<16xi32>,
    %slice3A_108 = vector.extract_strided_slice %get3A_31 {offsets = [5], sizes = [1], strides = [1]} : vector<16xi32> to vector<1xi32>
    %squeeze3A_109 = vector.extract %slice3A_108[0] : i32 from vector<1xi32>
    %broadcast_in_dim3A_110 = vector.broadcast %squeeze3A_109 : i32 to vector<16xi32>
    %get3A_111 = arith.constant 80 : index
    %get3A_112 = tpu.vector_load %arg5[%get3A_111] {strides = array<i32>} : memref<128xi32, #tpu.memory_space<vmem>>, vector<16xi32>,
    %get3A_113 = vector.shape_cast %get3A_112 : vector<16xi32> to vector<16xi32>
    %eq3A_114 = arith.constant 0 : i32
    %eq3A_115 = vector.broadcast %eq3A_114 : i32 to vector<16xi32>
    %eq3A_116 = arith.cmpi eq, %get3A_113, %eq3A_115 : vector<16xi32>
    %select_n3A_117 = arith.select %eq3A_116, %broadcast_in_dim3A_28, %get3A_113 : vector<16xi1>, vector<16xi32>
    %lt3A_118 = arith.cmpi slt, %iota3A, %broadcast_in_dim3A_110 : vector<16xi32>
    %select_n3A_119 = arith.select %lt3A_118, %select_n3A_117, %broadcast_in_dim3A_25 : vector<16xi1>, vector<16xi32>
    %swap3A_120 = arith.constant 80 : index
    %swap3A_121 = tpu.vector_load %arg5[%swap3A_120] {strides = array<i32>} : memref<128xi32, #tpu.memory_space<vmem>>, vector<16xi32>,
    %swap3A_122 = vector.shape_cast %swap3A_121 : vector<16xi32> to vector<16xi32>
    %swap3A_123 = vector.shape_cast %select_n3A_119 : vector<16xi32> to vector<16xi32>
    tpu.vector_store %arg5[%swap3A_120], %swap3A_123 {strides = array<i32>} : memref<128xi32, #tpu.memory_space<vmem>>, vector<16xi32>,
    %slice3A_124 = vector.extract_strided_slice %get3A_31 {offsets = [6], sizes = [1], strides = [1]} : vector<16xi32> to vector<1xi32>
    %squeeze3A_125 = vector.extract %slice3A_124[0] : i32 from vector<1xi32>
    %broadcast_in_dim3A_126 = vector.broadcast %squeeze3A_125 : i32 to vector<16xi32>
    %get3A_127 = arith.constant 96 : index
    %get3A_128 = tpu.vector_load %arg5[%get3A_127] {strides = array<i32>} : memref<128xi32, #tpu.memory_space<vmem>>, vector<16xi32>,
    %get3A_129 = vector.shape_cast %get3A_128 : vector<16xi32> to vector<16xi32>
    %eq3A_130 = arith.constant 0 : i32
    %eq3A_131 = vector.broadcast %eq3A_130 : i32 to vector<16xi32>
    %eq3A_132 = arith.cmpi eq, %get3A_129, %eq3A_131 : vector<16xi32>
    %select_n3A_133 = arith.select %eq3A_132, %broadcast_in_dim3A_28, %get3A_129 : vector<16xi1>, vector<16xi32>
    %lt3A_134 = arith.cmpi slt, %iota3A, %broadcast_in_dim3A_126 : vector<16xi32>
    %select_n3A_135 = arith.select %lt3A_134, %select_n3A_133, %broadcast_in_dim3A_25 : vector<16xi1>, vector<16xi32>
    %swap3A_136 = arith.constant 96 : index
    %swap3A_137 = tpu.vector_load %arg5[%swap3A_136] {strides = array<i32>} : memref<128xi32, #tpu.memory_space<vmem>>, vector<16xi32>,
    %swap3A_138 = vector.shape_cast %swap3A_137 : vector<16xi32> to vector<16xi32>
    %swap3A_139 = vector.shape_cast %select_n3A_135 : vector<16xi32> to vector<16xi32>
    tpu.vector_store %arg5[%swap3A_136], %swap3A_139 {strides = array<i32>} : memref<128xi32, #tpu.memory_space<vmem>>, vector<16xi32>,
    %slice3A_140 = vector.extract_strided_slice %get3A_31 {offsets = [7], sizes = [1], strides = [1]} : vector<16xi32> to vector<1xi32>
    %squeeze3A_141 = vector.extract %slice3A_140[0] : i32 from vector<1xi32>
    %broadcast_in_dim3A_142 = vector.broadcast %squeeze3A_141 : i32 to vector<16xi32>
    %get3A_143 = arith.constant 112 : index
    %get3A_144 = tpu.vector_load %arg5[%get3A_143] {strides = array<i32>} : memref<128xi32, #tpu.memory_space<vmem>>, vector<16xi32>,
    %get3A_145 = vector.shape_cast %get3A_144 : vector<16xi32> to vector<16xi32>
    %eq3A_146 = arith.constant 0 : i32
    %eq3A_147 = vector.broadcast %eq3A_146 : i32 to vector<16xi32>
    %eq3A_148 = arith.cmpi eq, %get3A_145, %eq3A_147 : vector<16xi32>
    %select_n3A_149 = arith.select %eq3A_148, %broadcast_in_dim3A_28, %get3A_145 : vector<16xi1>, vector<16xi32>
    %lt3A_150 = arith.cmpi slt, %iota3A, %broadcast_in_dim3A_142 : vector<16xi32>
    %select_n3A_151 = arith.select %lt3A_150, %select_n3A_149, %broadcast_in_dim3A_25 : vector<16xi1>, vector<16xi32>
    %swap3A_152 = arith.constant 112 : index
    %swap3A_153 = tpu.vector_load %arg5[%swap3A_152] {strides = array<i32>} : memref<128xi32, #tpu.memory_space<vmem>>, vector<16xi32>,
    %swap3A_154 = vector.shape_cast %swap3A_153 : vector<16xi32> to vector<16xi32>
    %swap3A_155 = vector.shape_cast %select_n3A_151 : vector<16xi32> to vector<16xi32>
    tpu.vector_store %arg5[%swap3A_152], %swap3A_155 {strides = array<i32>} : memref<128xi32, #tpu.memory_space<vmem>>, vector<16xi32>,
    "tpu.region"() ({
      %run_scoped3A = tpu.sem_alloc : memref<!tpu.dma_semaphore, #tpu.memory_space<semaphore_mem>>
      %dma_start3A_156 = tpu.memref_slice %arg4[%mul3A_0] : memref<2048xi32, #tpu.memory_space<hbm>> -> memref<128xi32, #tpu.memory_space<hbm>>
      %dma_start3A_157 = tpu.memref_slice %arg4[%mul3A_0] : memref<2048xi32, #tpu.memory_space<hbm>> -> memref<128xi32, #tpu.memory_space<hbm>>
      tpu.enqueue_dma source(%arg5 : memref<128xi32, #tpu.memory_space<vmem>>) target(%dma_start3A_157 : memref<128xi32, #tpu.memory_space<hbm>>) target_semaphore(%run_scoped3A : memref<!tpu.dma_semaphore, #tpu.memory_space<semaphore_mem>>)
      %dma_wait3A_158 = tpu.memref_slice %arg4[%mul3A_0] : memref<2048xi32, #tpu.memory_space<hbm>> -> memref<128xi32, #tpu.memory_space<hbm>>
      %dma_wait3A_159 = tpu.memref_slice %arg4[%mul3A_0] : memref<2048xi32, #tpu.memory_space<hbm>> -> memref<128xi32, #tpu.memory_space<hbm>>
      tpu.wait_dma2 semaphore(%run_scoped3A : memref<!tpu.dma_semaphore, #tpu.memory_space<semaphore_mem>>) src(%arg5 : memref<128xi32, #tpu.memory_space<vmem>>) dst(%dma_wait3A_159 : memref<128xi32, #tpu.memory_space<hbm>>)
      tpu.yield
    }) : () -> ()
    return
  }
}

</mosaic_0001>

<sc_bundles>
// kernel: kernel.3.cloned.1.call-start
scs
__scs_entry_jumppad:
0x0: {  	(pc) =	sbr.rel $0x88, $3  }
0x1: {  	(tag) =	ssettag $0x0;
	lr =	simm.s32 $0x1  }
0x2: {  	[smem:$0x3F9F] =	sst lr;
	_ =	strace $0xD0000000  }
0x3: {  	_ = 	snop  }
0x4: {  	_ = 	snop  }
0x5: {  	_ = 	snop  }
0x6: {  	_ = 	snop  }
0x7: {  	_ = 	snop  }
__scs_overlays_trampoline_lowered:
0x8: {  	[smem:$0x3FAE] =	sst s0  }
0x9: {  	[smem:$0x3FAF] =	sst s1  }
0xa: {  	[smem:$0x3FB0] =	sst s2  }
0xb: {  	[smem:$0x3FB1] =	sst s3  }
0xc: {  	[smem:$0x3FB2] =	sst s4  }
0xd: {  	[smem:$0x3FB3] =	sst s5  }
0xe: {  	[smem:$0x3FB4] =	sst s6  }
0xf: {  	[smem:$0x3FB5] =	sst s7  }
0x10: {  	[smem:$0x3FB6] =	sst s8  }
0x11: {  	[smem:$0x3FB7] =	sst s9;
	s0 =	simm.s32 @!p0 $0x0  }
0x12: {  	s1 =	sld [smem:$0x3F9D];
	s0 =	simm.s32 @p0 $0x1  }
0x13: {  	[smem:$0x3FB8] =	sst s0;
	s0 =	simm.s32 @!p1 $0x0  }
0x14: {  	s2 =	sld [smem:$0x3F9C];
	s0 =	simm.s32 @p1 $0x1  }
0x15: {  	[smem:$0x3FB9] =	sst s0;
	s0 =	simm.s32 @!p2 $0x0  }
0x16: {  	s3 =	sld [smem:$0x3FDB];
	s0 =	simm.s32 @p2 $0x1  }
0x17: {  	s4 =	simm.s32 $0x1BF5;
	[smem:$0x3FBB] =	sst s0  }
0x18: {  	s0 =	sld [smem:$0x3F9E];
	_ =	swait.ge [sflag:s4], $0x0  }
0x19: {  	s7 =	sld [smem:$0x3F9F]  }
0x1a: {  	s8 =	sadd.s32 $0xFFFFE003, lr  }
0x1b: {  	s9 =	sadd.s32 $0xFFFFFEF7, lr;
	s5 =	simm.s32 $0xFFFFFFFF;
	p2 =	slt.u32 s8, $0xFFFFF086  }
0x1c: {  	p1 =	slt.u32 s9, $0xF7A;
	s5 =	simm.s32 @!p2 $0x0  }
0x1d: {  	s5 =	simm.s32 @p1 $0x1;
	p0 =	seq.s32 s7, s2  }
0x1e: {  	s7 =	smul.u32 @!p0 $0xF7A, s2;
	p2 =	seq.s32 @!p0 s5, $0x0  }
0x1f: {  	s9 =	smul.u32 $0xF7A, s1;
	s8 =	simm.s32 @!p0 $0x1BF5;
	p2 =	por !p2, p0  }
0x20: {  	[sflag:s8] =	ssyncset.s32 @!p0 $0xFFFFF086;
	s6 =	sadd.s32 @!p0 s3, s7;
	s7 =	simm.s32 @!p0 $0x108  }
0x21: {  	s3 =	sadd.s32 s3, s9;
	s6 =	sadd.s32 @!p0 $0x88, s6;
	s7 =	simm.s32 @p2 $0x1082  }
0x22: {  	[simem:s7], [sflag:s8] =	dma.local @!p0 [hbm:s6], $0xF7A  }
0x23: {  	s9 =	sor.u32 $0xD0000000, s2;
	s6 =	simm.s32 $0x108;
	_ =	swait.ge @!p0 [sflag:s8], $0x0  }
0x24: {  	s3 =	sadd.s32 $0x88, s3;
	s6 =	simm.s32 @!p1 $0x1082;
	[sflag:s4] =	ssyncset.s32 $0xFFFFF086  }
0x25: {  	[simem:s6], [sflag:s4] =	dma.local [hbm:s3], $0xF7A  }
0x26: {  	[smem:$0x3F9F] =	sst s1;
	(tag) =	ssettag s2;
	_ =	strace s9  }
0x27: {  	s1 =	sld [smem:$0x3FAF]  }
0x28: {  	s2 =	sld [smem:$0x3FB0]  }
0x29: {  	s4 =	sld [smem:$0x3FB2]  }
0x2a: {  	p0 =	seq.s32 s5, $0x0;
	s5 =	sld [smem:$0x3FB3]  }
0x2b: {  	s6 =	sld [smem:$0x3FB4]  }
0x2c: {  	s7 =	sld [smem:$0x3FB5]  }
0x2d: {  	s3 =	simm.s32 $0x108;
	s8 =	sld [smem:$0x3FB6]  }
0x2e: {  	s3 =	simm.s32 @!p0 $0x1082;
	s9 =	sld [smem:$0x3FB7]  }
0x2f: {  	lr =	sadd.s32 s0, s3;
	s0 =	sld [smem:$0x3FAE]  }
0x30: {  	s3 =	sld [smem:$0x3FB1]  }
0x31: {  	[smem:$0x3FBA] =	sst s10  }
0x32: {  	s10 =	sld [smem:$0x3FB8];
	_ =	sdelay $0x3  }
0x33: {  	p0 =	seq.s32 s10, $0x1;
	s10 =	sld [smem:$0x3FBA];
	_ =	sdelay $0x3  }
0x34: {  	[smem:$0x3FBA] =	sst s10  }
0x35: {  	s10 =	sld [smem:$0x3FB9];
	_ =	sdelay $0x3  }
0x36: {  	p1 =	seq.s32 s10, $0x1;
	s10 =	sld [smem:$0x3FBA];
	_ =	sdelay $0x3  }
0x37: {  	[smem:$0x3FBA] =	sst s10  }
0x38: {  	s10 =	sld [smem:$0x3FBB]  }
0x39: {  	_ = 	snop;
	(pc) =	sbr.ind lr, $3  }
0x3a: {  	_ = 	snop  }
0x3b: {  	_ = 	snop  }
0x3c: {  	p2 =	seq.s32 s10, $0x1;
	s10 =	sld [smem:$0x3FBA]  }
0x3d: {  	_ =	shalt  }
0x3e: {  	_ =	shalt  }
0x3f: {  	_ =	shalt  }
0x40: {  	_ =	shalt  }
0x41: {  	_ =	shalt  }
0x42: {  	_ =	shalt  }
0x43: {  	_ =	shalt  }
0x44: {  	_ =	shalt  }
0x45: {  	_ =	shalt  }
0x46: {  	_ =	shalt  }
0x47: {  	_ =	shalt  }
0x48: {  	_ =	shalt  }
0x49: {  	_ =	shalt  }
0x4a: {  	_ =	shalt  }
0x4b: {  	_ =	shalt  }
0x4c: {  	_ =	shalt  }
0x4d: {  	_ =	shalt  }
0x4e: {  	_ =	shalt  }
0x4f: {  	_ =	shalt  }
0x50: {  	_ =	shalt  }
0x51: {  	_ =	shalt  }
0x52: {  	_ =	shalt  }
0x53: {  	_ =	shalt  }
0x54: {  	_ =	shalt  }
0x55: {  	_ =	shalt  }
0x56: {  	_ =	shalt  }
0x57: {  	_ =	shalt  }
0x58: {  	_ =	shalt  }
0x59: {  	_ =	shalt  }
0x5a: {  	_ =	shalt  }
0x5b: {  	_ =	shalt  }
0x5c: {  	_ =	shalt  }
0x5d: {  	_ =	shalt  }
0x5e: {  	_ =	shalt  }
0x5f: {  	_ =	shalt  }
0x60: {  	_ =	shalt  }
0x61: {  	_ =	shalt  }
0x62: {  	_ =	shalt  }
0x63: {  	_ =	shalt  }
0x64: {  	_ =	shalt  }
0x65: {  	_ =	shalt  }
0x66: {  	_ =	shalt  }
0x67: {  	_ =	shalt  }
0x68: {  	_ =	shalt  }
0x69: {  	_ =	shalt  }
0x6a: {  	_ =	shalt  }
0x6b: {  	_ =	shalt  }
0x6c: {  	_ =	shalt  }
0x6d: {  	_ =	shalt  }
0x6e: {  	_ =	shalt  }
0x6f: {  	_ =	shalt  }
0x70: {  	_ =	shalt  }
0x71: {  	_ =	shalt  }
0x72: {  	_ =	shalt  }
0x73: {  	_ =	shalt  }
0x74: {  	_ =	shalt  }
0x75: {  	_ =	shalt  }
0x76: {  	_ =	shalt  }
0x77: {  	_ =	shalt  }
0x78: {  	_ =	shalt  }
0x79: {  	_ =	shalt  }
0x7a: {  	_ =	shalt  }
0x7b: {  	_ =	shalt  }
0x7c: {  	_ =	shalt  }
0x7d: {  	_ =	shalt  }
0x7e: {  	_ =	shalt  }
0x7f: {  	_ =	shalt  }
0x80: {  	_ =	shalt  }
0x81: {  	_ =	shalt  }
0x82: {  	_ =	shalt  }
0x83: {  	_ =	shalt  }
0x84: {  	_ =	shalt  }
0x85: {  	_ =	shalt  }
0x86: {  	_ =	shalt  }
0x87: {  	_ =	shalt  }
.Lfunc_end0:
.L_simem_size_0:
called_computation_lowered:
.L_overlay_start_0:
0x88: {  	s0 =	sld [smem:$0x3FD9]  }
0x89: {  	s1 =	sld [smem:$0x3FFE];
	_ =	sdelay $0x3  }
0x8a: {  	s0 =	sadd.s32 s1, s0  }
0x8b: {  	[smem:$0x3FC6] =	sst s0  }
0x8c: {  	_ = 	snop  }
0x8d: {  	s0 =	sld [smem:$0x3FD0];
	_ =	sdelay $0x2  }
0x8e: {  	s2 =	simm.s32 $0xA;
	s3 =	simm.s32 $0x10;
	s13 =	sld [smem:$0x3FC8]  }
0x8f: {  	[smem:s3], [sflag:s2] =	dma.local [hbm:s0], $0x1  }
0x90: {  	_ =	swait.eq [sflag:s2], $0x1  }
0x91: {  	[sflag:s2] =	ssyncset.done $0x0  }
0x92: {  	[sflag:s2] =	ssyncadd.s32 $0xFFFFFFFF  }
0x93: {  	s14 =	sld [smem:$0x10];
	(tm) =	ssettm $0x1  }
0x94: {  	s15 =	sld [smem:$0x3FFB];
	_ =	sdelay $0x3  }
0x95: {  	_ =	strace s15  }
0x96: {  	s2 =	sld [smem:$0x3FFC];
	_ =	sdelay $0x3  }
0x97: {  	_ =	strace s2  }
0x98: {  	s2 =	sld [smem:$0x3FFD];
	_ =	sdelay $0x3  }
0x99: {  	_ =	strace s2  }
0x9a: {  	_ =	strace $0x8FFFFFFF  }
0x9b: {  	s16 =	sld [smem:$0x3FDB];
	_ =	sdelay $0x1  }
0x9c: {  	s17 =	simm.s32 $_scs_section_size  }
0x9d: {  	s4 =	simm.s32 $_size__tile_overlayer_lowered;
	s5 =	simm.s32 $_tile_overlayer_lowered  }
0x9e: {  	s20 =	simm.s32 $0x1BFF;
	s19 =	sshll.u32 s5, $0x1;
	s2 =	sadd.s32 s17, s16  }
0x9f: {  	s6 =	simm.s32 $0x0;
	s18 =	sshll.u32 s4, $0x1;
	s4 =	sadd.s32 s19, s2  }
0xa0: {  	[timem:s6], [sflag:s20] =	dma.local [hbm:s4], s18  }
0xa1: {  	_ =	swait.ge [sflag:s20], s18  }
0xa2: {  	s3 =	ssub.s32 $0x0, s18;
	[sflag:s20] =	ssyncset.done $0x0  }
0xa3: {  	[sflag:s20] =	ssyncadd.s32 s3;
	_ =	sdelay $0x1  }
0xa4: {  	s21 =	simm.s32 $0x1B8B  }
0xa5: {  	_ =	swait.ge [sflag:s21], $0x1  }
0xa6: {  	[sflag:s21] =	ssyncset.done $0x0  }
0xa7: {  	s23 =	simm.s32 $0x1B8E;
	s22 =	sld [smem:$0x3FFE];
	[sflag:s21] =	ssyncadd.s32 $0xFFFFFFFF  }
0xa8: {  	s24 =	simm.s32 $execute0_lowered;
	[smem:$0x3FD2] =	sst s23  }
0xa9: {  	s4 =	sshll.u32 s24, $0x1;
	_ =	strace $0x80000046;
	[dreg:$0x1] =	wrdreg $0xFFFFFFFF  }
0xaa: {  	s25 =	simm.s32 $_size_execute0_lowered;
	s2 =	sadd.s32 s2, s4;
	[dreg:$0x0] =	wrdreg $0x0  }
0xab: {  	s4 =	sshll.u32 s25, $0x1;
	[dreg:$0x2] =	wrdreg s2  }
0xac: {  	[dreg:$0x3] =	wrdreg s4  }
0xad: {  	[dreg:$0x4] =	wrdreg $0xC0  }
0xae: {  	_ =	task [dreg:s6], $0x5FFFF  }
0xaf: {  	[dreg:$0x1] =	wrdreg $0xFFFFFFFF  }
0xb0: {  	[dreg:$0x0] =	wrdreg $0x60  }
0xb1: {  	[dreg:$0x2] =	wrdreg s14  }
0xb2: {  	[dreg:$0x3] =	wrdreg s13  }
0xb3: {  	[dreg:$0x4] =	wrdreg s22  }
0xb4: {  	[dreg:$0x5] =	wrdreg $0x9  }
0xb5: {  	_ =	task.clear_ibuf [dreg:s6], $0x6FFFF;
	_ =	strace $0x90000046  }
0xb6: {  	s26 =	simm.s32 $0x9;
	_ =	strace $0x80000048  }
0xb7: {  	_ =	swait.ge [sflag:s26], $0x1  }
0xb8: {  	[sflag:s26] =	ssyncadd.s32 $0xFFFFFFFF  }
0xb9: {  	_ =	strace $0x90000048  }
0xba: {  	_ =	sfence  }
0xbb: {  	s28 =	sld [smem:$0x0];
	_ =	sdelay $0x1  }
0xbc: {  	s29 =	srdreg.scid  }
0xbd: {  	s30 =	sshll.u32 s29, $0xD;
	s31 =	sshrl.u32 s29, $0x2  }
0xbe: {  	s1 =	sand.u32 $0x1, s29;
	s2 =	sand.u32 $0x4000, s30;
	s0 =	sadd.s32 s31, s28  }
0xbf: {  	s1 =	sor.u32 s2, s1;
	s0 =	sshll.u32 s0, $0x11  }
0xc0: {  	s0 =	sor.u32 s0, s1  }
0xc1: {  	s0 =	sadd.s32 $0x8F2B, s0  }
0xc2: {  	[sflag:s0] =	ssyncadd.remote.s32 $0x1  }
0xc3: {  	_ =	sfence.sel $0xFFFF  }
0xc4: {  	[dreg:$0x0] =	wrdreg $0xFFFFFFFF;
	(pc) =	sbr.abs _section_cstart, $3  }
0xc5: {  	[dreg:$0x1] =	wrdreg $0xFFFFFFFF  }
0xc6: {  	_ =	task.clear_ibuf [dreg:s6], $0x2FFFF;
	_ =	strace $0x9FFFFFFF  }
0xc7: {  	(tm) =	ssettm $0x7FFFFFFF  }
tec
execute0_lowered:
.L_overlay_start_1:
0x0: {  	(tag) =	ssettag $0x1  }
0x1: {  	s5 =	rddreg [dreg:$0x0]  }
0x2: {  	s6 =	rddreg [dreg:$0x1]  }
0x3: {  	s3 =	rddreg [dreg:$0x2];
	s2 =	simm.s32 $0x0;
	s1 =	stileid.u32  }
0x4: {  	[smem:$0x7FF] =	sst s2;
	s4 =	sshll.u32 s1, $0x4  }
0x5: {  	s0 =	rddreg [dreg:$0x3];
	_ =	strace $0x80000047;
	s7 =	sadd.s32 s5, s4  }
0x6: {  	[tilespmem:s2], [sflag:$0x1] =	stream.linear.gather [hbm4b:s7+s2], $0x80, $0x38;
	[tilespmem:$0x180] =	vst v63  }
0x7: {  	s26 =	simm.s32 $0x80  }
0x8: {  	[tilespmem:s26], [sflag:$0x1] =	stream.linear.gather [hbm4b:s5+s2], $0x10, $0x38;
	[tilespmem:$0x180] =	vst v63  }
0x9: {  	s29 =	simm.s32 $0x100;
	s30 =	simm.s32 $0x1;
	s28 =	sadd.s32 s6, s1  }
0xa: {  	[tilespmem:s29], [sflag:$0x1] =	stream.linear.gather [hbm4b:s28+s2], $0x8, $0x38;
	[tilespmem:$0x180] =	vst v63  }
0xb: {  	_ =	swait.ge [sflag:s30], $0x80  }
0xc: {  	[sflag:s30] =	ssyncset.done $0x0  }
0xd: {  	[sflag:s30] =	ssyncadd.s32 $0xFFFFFF80  }
0xe: {  	_ =	swait.ge [sflag:s30], $0x10  }
0xf: {  	[sflag:s30] =	ssyncset.done $0x0  }
0x10: {  	[sflag:s30] =	ssyncadd.s32 $0xFFFFFFF0  }
0x11: {  	_ =	swait.ge [sflag:s30], $0x8  }
0x12: {  	[sflag:s30] =	ssyncset.done $0x0  }
0x13: {  	[sflag:s30] =	ssyncadd.s32 $0xFFFFFFF8  }
0x14: {  	v1 =	vld [tilespmem:$0x100]  }
0x15: {  	v2 =	vld [tilespmem:$0x0]  }
0x16: {  	v3 =	vld [tilespmem:$0x10]  }
0x17: {  	v4 =	vld [tilespmem:$0x20]  }
0x18: {  	v8 =	vld [tilespmem:$0x30]  }
0x19: {  	v53 =	vld [tilespmem:$0x40]  }
0x1a: {  	v9 =	vld [tilespmem:$0x50]  }
0x1b: {  	v6 =	vlaneseq.u32;
	v11 =	vld [tilespmem:$0x60]  }
0x1c: {  	v0 =	vld.msk [tilespmem:$0x80 ss:$0x0], $0xffff;
	v5 =	vbroadcast v1, $0x0;
	vm0 =	veq.s32 v2, $0x0;
	v7 =	vbroadcast v1, $0x1  }
0x1d: {  	vm1 =	veq.s32 v3, $0x0;
	v54 =	vbroadcast v1, $0x2;
	vm4 =	veq.s32 v4, $0x0  }
0x1e: {  	v55 =	vbroadcast v1, $0x3;
	vm6 =	veq.s32 v8, $0x0;
	v10 =	vbroadcast v1, $0x4  }
0x1f: {  	vm8 =	veq.s32 v53, $0x0;
	v58 =	vbroadcast v1, $0x5;
	vm10 =	veq.s32 v9, $0x0  }
0x20: {  	v61 =	vbroadcast v1, $0x6;
	vm12 =	veq.s32 v11, $0x0;
	v1 =	vbroadcast v1, $0x7  }
0x21: {  	v2 =	vsel vm0, v0, v2;
	v3 =	vsel vm1, v0, v3;
	vm14 =	vgt.s32 v5, v6  }
0x22: {  	v56 =	vld [tilespmem:$0x70];
	v4 =	vsel vm4, v0, v4;
	vm15 =	vgt.s32 v7, v6;
	v2 =	vnsel vm14, $0x0, v2  }
0x23: {  	v8 =	vsel vm6, v0, v8;
	vm5 =	vgt.s32 v54, v6;
	v3 =	vnsel vm15, $0x0, v3;
	[tilespmem:$0x0] =	vst v2  }
0x24: {  	v57 =	vsel vm8, v0, v53;
	vm7 =	vgt.s32 v55, v6;
	v4 =	vnsel vm5, $0x0, v4;
	[tilespmem:$0x10] =	vst v3  }
0x25: {  	v60 =	vsel vm10, v0, v9;
	vm11 =	vgt.s32 v58, v6;
	v59 =	vnsel vm7, $0x0, v8;
	[tilespmem:$0x20] =	vst v4  }
0x26: {  	v63 =	vsel vm12, v0, v11;
	vm9 =	vgt.s32 v10, v6;
	v62 =	vnsel vm11, $0x0, v60;
	[tilespmem:$0x30] =	vst v59  }
0x27: {  	vm13 =	vgt.s32 v61, v6;
	vm14 =	veq.s32 v56, $0x0;
	v2 =	vnsel vm9, $0x0, v57;
	[tilespmem:$0x50] =	vst v62  }
0x28: {  	vm15 =	vgt.s32 v1, v6;
	v0 =	vsel vm14, v0, v56;
	[tilespmem:$0x40] =	vst v2;
	v2 =	vnsel vm13, $0x0, v63  }
0x29: {  	s3 =	sadd.s32 s4, s3;
	v0 =	vnsel vm15, $0x0, v0;
	[tilespmem:$0x60] =	vst v2  }
0x2a: {  	s31 =	simm.s32 $0x2;
	s3 =	sadd.s32 $0x600, s3;
	[tilespmem:$0x70] =	vst v0  }
0x2b: {  	[hbm4b:s3+s2] =	stream.linear.scatter [tilespmem:s2], [sflag:$0x2], $0x80, $0x38;
	[tilespmem:$0x180] =	vst v63  }
0x2c: {  	_ =	swait.ge [sflag:s31], $0x80  }
0x2d: {  	[sflag:s31] =	ssyncset.done $0x0  }
0x2e: {  	[sflag:s31] =	ssyncadd.s32 $0xFFFFFF80  }
0x2f: {  	_ =	sfence.sel $0x180000  }
0x30: {  	[bflag:$0x0] =	sbarrier.arrive $0xFFFF  }
0x31: {  	p0 =	sne.s32 s1, $0x0;
	_ =	strace $0x90000047  }
0x32: {  	s0 =	sadd.s32 @!p0 $0x100000, s0;
	[bflag:$0x2] =	sbarrier.arrive $0xFFFF  }
0x33: {  	[sflag:s0] =	ssyncadd.tile.s32 @!p0 $0x1;
	_ =	shalt  }
.Lfunc_end2:
_tile_overlayer_lowered:
.L_overlay_start_2:
0x34: {  	(tag) =	ssettag $0x2  }
0x35: {  	s0 =	rddreg [dreg:$0x0];
	s2 =	stileid.u32  }
0x36: {  	s1 =	rddreg [dreg:$0x1];
	p0 =	sne.s32 s2, $0x0  }
0x37: {  	s3 =	rddreg [dreg:$0x2];
	[bflag:$0x3] =	sbarrier.arrive $0xFFFF;
	s2 =	simm.s32 @!p0 $0x1C02  }
0x38: {  	[timem:s3], [sflag:s2] =	dma.local @!p0 [hbm:s0], s1  }
0x39: {  	s0 =	simm.s32 @!p0 $0x2  }
0x3a: {  	_ =	swait.ge @!p0 [sflag:s0], s1  }
0x3b: {  	s1 =	ssub.s32 @!p0 $0x0, s1;
	[sflag:s0] =	ssyncset.done @!p0 $0x0  }
0x3c: {  	[sflag:s0] =	ssyncadd.s32 @!p0 s1  }
0x3d: {  	[bflag:$0x3] =	sbarrier.arrive $0xFFFF  }
0x3e: {  	_ =	shalt  }

</sc_bundles>
